<compile_context>
chip_gen: v7x
topology: tpu7x:2x2x1
jax: 0.10.2.dev20260603
libtpu: 0.0.44.dev20260713+nightly
codegen_flags: <defaults>
</compile_context>

<pallas_src>
import functools

import jax
import jax.numpy as jnp
from jax import lax
from jax.experimental import pallas as pl
from jax.experimental.pallas import tpu as pltpu
from jax.experimental.pallas import tpu_sc as plsc

_TOP_K = 2
_LANES = 16


def _logits_body(hs_ref, wt_ref, b_ref, out_ref):
    acc = jax.lax.dot_general(
        hs_ref[...], wt_ref[...],
        dimension_numbers=(((1,), (0,)), ((), ())),
        preferred_element_type=jnp.float32,
        precision=jax.lax.Precision.DEFAULT,
    )
    out_ref[...] = acc + b_ref[...]


def _compute_logits(hs, weight_t, bias, block_m):
    tokens, hidden = hs.shape
    num_experts = weight_t.shape[1]
    grid = (tokens // block_m,)
    return pl.pallas_call(
        _logits_body,
        grid=grid,
        in_specs=[
            pl.BlockSpec((block_m, hidden), lambda i: (i, 0)),
            pl.BlockSpec((hidden, num_experts), lambda i: (0, 0)),
            pl.BlockSpec((1, num_experts), lambda i: (0, 0)),
        ],
        out_specs=pl.BlockSpec((block_m, num_experts), lambda i: (i, 0)),
        out_shape=jax.ShapeDtypeStruct((tokens, num_experts), jnp.float32),
    )(hs, weight_t, bias.reshape(1, num_experts))


def _top2_scatter(idx0, logit, num_experts, sc_v, ix_v, ibase):
    m1 = logit[0]
    i1 = jnp.zeros((_LANES,), jnp.int32)
    m2 = jnp.full((_LANES,), -jnp.inf, jnp.float32)
    i2 = jnp.zeros((_LANES,), jnp.int32)
    for e in range(1, num_experts):
        v = logit[e]
        ev = jnp.full((_LANES,), e, jnp.int32)
        gt1 = v > m1
        gt2 = v > m2
        i2 = jnp.where(gt1, i1, jnp.where(gt2, ev, i2))
        m2 = jnp.where(gt1, m1, jnp.where(gt2, v, m2))
        i1 = jnp.where(gt1, ev, i1)
        m1 = jnp.where(gt1, v, m1)
    w2 = jnp.exp(m2 - m1)
    p1 = 1.0 / (1.0 + w2)
    p2 = w2 * p1
    zero = jnp.zeros((_LANES,), jnp.float32)
    for e in range(num_experts):
        ev = jnp.full((_LANES,), e, jnp.int32)
        se = jnp.where(i1 == ev, p1, jnp.where(i2 == ev, p2, zero))
        plsc.store_scatter(sc_v, [idx0 + e], se)
    plsc.store_scatter(ix_v, [ibase], i1)
    plsc.store_scatter(ix_v, [ibase + 1], i2)


def _make_router(tokens, num_experts, info):
    num_workers = info.num_cores * info.num_subcores
    chunk = tokens // num_workers
    groups = chunk // _LANES
    mesh = plsc.VectorSubcoreMesh(core_axis_name="c", subcore_axis_name="s")

    @functools.partial(
        pl.kernel,
        out_type=[
            jax.ShapeDtypeStruct((tokens * num_experts,), jnp.float32),
            jax.ShapeDtypeStruct((tokens * _TOP_K,), jnp.int32),
        ],
        mesh=mesh,
        scratch_types=[
            pltpu.VMEM((chunk * num_experts,), jnp.float32),
            pltpu.VMEM((chunk * num_experts,), jnp.float32),
            pltpu.VMEM((chunk * _TOP_K,), jnp.int32),
        ],
        compiler_params=pltpu.CompilerParams(needs_layout_passes=False),
    )
    def _router(logits_hbm, scores_hbm, idx_hbm, lg_v, sc_v, ix_v):
        wid = lax.axis_index("c") * info.num_subcores + lax.axis_index("s")
        base = wid * chunk
        pltpu.sync_copy(logits_hbm.at[pl.ds(base * num_experts,
                                            chunk * num_experts)], lg_v)
        lanes = lax.iota(jnp.int32, _LANES)

        def body(t, _):
            idx0 = t * (_LANES * num_experts) + lanes * num_experts
            logit = [plsc.load_gather(lg_v, [idx0 + e])
                     for e in range(num_experts)]
            ibase = t * (_LANES * _TOP_K) + lanes * _TOP_K
            _top2_scatter(idx0, logit, num_experts, sc_v, ix_v, ibase)
            return ()

        lax.fori_loop(0, groups, body, ())
        pltpu.sync_copy(sc_v, scores_hbm.at[pl.ds(base * num_experts,
                                                  chunk * num_experts)])
        pltpu.sync_copy(ix_v, idx_hbm.at[pl.ds(base * _TOP_K,
                                               chunk * _TOP_K)])

    return _router


def kernel(hidden_states, weight, bias):
    hidden = weight.shape[1]
    num_experts = weight.shape[0]
    hs = hidden_states.reshape(-1, hidden)
    tokens = hs.shape[0]
    info = plsc.get_sparse_core_info()
    logits = _compute_logits(hs, weight.T, bias, block_m=4096)
    router = _make_router(tokens, num_experts, info)
    scores_flat, idx_flat = router(logits.reshape(-1))
    return (scores_flat.reshape(tokens, num_experts),
            idx_flat.reshape(tokens, _TOP_K))

# --- scband reference (transcript-rebuilt; emitter-appended) ---
"""Pipeline reference for scband-reference-top-krouter-16217796509890 (READ-ONLY COPY).

The authoritative reference and input builder live on the scoring server;
editing this copy changes nothing except your own understanding.
"""

import jax, jax.numpy as jnp
import numpy as np

TOP_K = 2
NUM_EXPERTS = 8
HIDDEN = 768

def setup_inputs(seed: int = 0) -> dict:
    key = jax.random.key(seed)
    k1, k2, k3 = jax.random.split(key, 3)
    hidden_states = jax.random.normal(k1, (4, 8192, HIDDEN), dtype=jnp.float32)
    weight = jax.random.normal(k2, (NUM_EXPERTS, HIDDEN), dtype=jnp.float32)
    bias = jax.random.normal(k3, (NUM_EXPERTS,), dtype=jnp.float32)
    return {"hidden_states": hidden_states, "weight": weight, "bias": bias}

def reference(hidden_states, weight, bias):
    hs = hidden_states.reshape(-1, weight.shape[1])
    router_logits = hs @ weight.T + bias
    router_top_value, router_indices = jax.lax.top_k(router_logits, TOP_K)
    router_top_value = jax.nn.softmax(router_top_value, axis=1)
    rows = jnp.arange(router_logits.shape[0])[:, None]
    router_scores = jnp.zeros_like(router_logits).at[rows, router_indices].set(router_top_value)
    return (router_scores, router_indices)

if __name__ == "__main__":
    import jax
    _d = setup_inputs()
    print(jax.jit(kernel)(*tuple(_d.values())))

</pallas_src>

<mosaic_0001>
#map = affine_map<(d0, d1) -> (0)>
module attributes {stable_mosaic.version = 14 : i64} {
  func.func @_router(%arg0: i32, %arg1: i32, %arg2: memref<262144xf32, #tpu.memory_space<hbm>>, %arg3: memref<262144xf32, #tpu.memory_space<hbm>>, %arg4: memref<65536xi32, #tpu.memory_space<hbm>>, %arg5: memref<8192xf32, #tpu.memory_space<vmem>>, %arg6: memref<8192xf32, #tpu.memory_space<vmem>>, %arg7: memref<2048xi32, #tpu.memory_space<vmem>>) attributes {dimension_semantics = [#tpu.dimension_semantics<core_parallel>, #tpu.dimension_semantics<subcore_parallel>], iteration_bounds = array<i64: 2, 16>, scalar_prefetch = 0 : i64, scratch_operands = 3 : i64, tpu.core_type = #tpu.core_type<sc_vector_subcore>, window_params = [{transform_indices = #map}, {transform_indices = #map}, {transform_indices = #map}]} {
    %mul3A = arith.constant 16 : i32
    %mul3A_0 = arith.muli %arg0, %mul3A : i32
    %add3A = arith.addi %mul3A_0, %arg1 : i32
    %mul3A_1 = arith.constant 1024 : i32
    %mul3A_2 = arith.muli %add3A, %mul3A_1 : i32
    %mul3A_3 = arith.constant 8 : i32
    %mul3A_4 = arith.muli %mul3A_2, %mul3A_3 : i32
    "tpu.region"() ({
      %run_scoped3A = tpu.sem_alloc : memref<!tpu.dma_semaphore, #tpu.memory_space<semaphore_mem>>
      %dma_start3A = tpu.memref_slice %arg2[%mul3A_4] : memref<262144xf32, #tpu.memory_space<hbm>> -> memref<8192xf32, #tpu.memory_space<hbm>>
      %dma_start3A_13 = tpu.memref_slice %arg2[%mul3A_4] : memref<262144xf32, #tpu.memory_space<hbm>> -> memref<8192xf32, #tpu.memory_space<hbm>>
      tpu.enqueue_dma source(%dma_start3A_13 : memref<8192xf32, #tpu.memory_space<hbm>>) target(%arg5 : memref<8192xf32, #tpu.memory_space<vmem>>) target_semaphore(%run_scoped3A : memref<!tpu.dma_semaphore, #tpu.memory_space<semaphore_mem>>)
      %dma_wait3A = tpu.memref_slice %arg2[%mul3A_4] : memref<262144xf32, #tpu.memory_space<hbm>> -> memref<8192xf32, #tpu.memory_space<hbm>>
      %dma_wait3A_14 = tpu.memref_slice %arg2[%mul3A_4] : memref<262144xf32, #tpu.memory_space<hbm>> -> memref<8192xf32, #tpu.memory_space<hbm>>
      tpu.wait_dma2 semaphore(%run_scoped3A : memref<!tpu.dma_semaphore, #tpu.memory_space<semaphore_mem>>) src(%dma_wait3A_14 : memref<8192xf32, #tpu.memory_space<hbm>>) dst(%arg5 : memref<8192xf32, #tpu.memory_space<vmem>>)
      tpu.yield
    }) : () -> ()
    %iota3A = tpu.iota {dimensions = array<i32: 0>} : vector<16xi32>
    %scan3A = arith.constant 0 : i32
    %scan3A_5 = arith.constant 64 : i32
    %scan3A_6 = arith.addi %scan3A, %scan3A_5 : i32
    %scan3A_7 = arith.constant 1 : i32
    scf.for %scan3A_13 = %scan3A to %scan3A_6 step %scan3A_7  : i32 {
      %mul3A_14 = arith.constant 128 : i32
      %mul3A_15 = arith.muli %scan3A_13, %mul3A_14 : i32
      %mul3A_16 = arith.constant 8 : i32
      %mul3A_17 = vector.broadcast %mul3A_16 : i32 to vector<16xi32>
      %mul3A_18 = arith.muli %iota3A, %mul3A_17 : vector<16xi32>
      %add3A_19 = vector.broadcast %mul3A_15 : i32 to vector<16xi32>
      %add3A_20 = arith.addi %add3A_19, %mul3A_18 : vector<16xi32>
      %add3A_21 = arith.constant 0 : i32
      %add3A_22 = vector.broadcast %add3A_21 : i32 to vector<16xi32>
      %add3A_23 = arith.addi %add3A_20, %add3A_22 : vector<16xi32>
      %gather3A = tpu.vector_load_idx %arg5[%add3A_23] : memref<8192xf32, #tpu.memory_space<vmem>>[vector<16xi32>], vector<16xf32>,
      %add3A_24 = arith.constant 1 : i32
      %add3A_25 = vector.broadcast %add3A_24 : i32 to vector<16xi32>
      %add3A_26 = arith.addi %add3A_20, %add3A_25 : vector<16xi32>
      %gather3A_27 = tpu.vector_load_idx %arg5[%add3A_26] : memref<8192xf32, #tpu.memory_space<vmem>>[vector<16xi32>], vector<16xf32>,
      %add3A_28 = arith.constant 2 : i32
      %add3A_29 = vector.broadcast %add3A_28 : i32 to vector<16xi32>
      %add3A_30 = arith.addi %add3A_20, %add3A_29 : vector<16xi32>
      %gather3A_31 = tpu.vector_load_idx %arg5[%add3A_30] : memref<8192xf32, #tpu.memory_space<vmem>>[vector<16xi32>], vector<16xf32>,
      %add3A_32 = arith.constant 3 : i32
      %add3A_33 = vector.broadcast %add3A_32 : i32 to vector<16xi32>
      %add3A_34 = arith.addi %add3A_20, %add3A_33 : vector<16xi32>
      %gather3A_35 = tpu.vector_load_idx %arg5[%add3A_34] : memref<8192xf32, #tpu.memory_space<vmem>>[vector<16xi32>], vector<16xf32>,
      %add3A_36 = arith.constant 4 : i32
      %add3A_37 = vector.broadcast %add3A_36 : i32 to vector<16xi32>
      %add3A_38 = arith.addi %add3A_20, %add3A_37 : vector<16xi32>
      %gather3A_39 = tpu.vector_load_idx %arg5[%add3A_38] : memref<8192xf32, #tpu.memory_space<vmem>>[vector<16xi32>], vector<16xf32>,
      %add3A_40 = arith.constant 5 : i32
      %add3A_41 = vector.broadcast %add3A_40 : i32 to vector<16xi32>
      %add3A_42 = arith.addi %add3A_20, %add3A_41 : vector<16xi32>
      %gather3A_43 = tpu.vector_load_idx %arg5[%add3A_42] : memref<8192xf32, #tpu.memory_space<vmem>>[vector<16xi32>], vector<16xf32>,
      %add3A_44 = arith.constant 6 : i32
      %add3A_45 = vector.broadcast %add3A_44 : i32 to vector<16xi32>
      %add3A_46 = arith.addi %add3A_20, %add3A_45 : vector<16xi32>
      %gather3A_47 = tpu.vector_load_idx %arg5[%add3A_46] : memref<8192xf32, #tpu.memory_space<vmem>>[vector<16xi32>], vector<16xf32>,
      %add3A_48 = arith.constant 7 : i32
      %add3A_49 = vector.broadcast %add3A_48 : i32 to vector<16xi32>
      %add3A_50 = arith.addi %add3A_20, %add3A_49 : vector<16xi32>
      %gather3A_51 = tpu.vector_load_idx %arg5[%add3A_50] : memref<8192xf32, #tpu.memory_space<vmem>>[vector<16xi32>], vector<16xf32>,
      %mul3A_52 = arith.constant 32 : i32
      %mul3A_53 = arith.muli %scan3A_13, %mul3A_52 : i32
      %mul3A_54 = arith.constant 2 : i32
      %mul3A_55 = vector.broadcast %mul3A_54 : i32 to vector<16xi32>
      %mul3A_56 = arith.muli %iota3A, %mul3A_55 : vector<16xi32>
      %add3A_57 = vector.broadcast %mul3A_53 : i32 to vector<16xi32>
      %add3A_58 = arith.addi %add3A_57, %mul3A_56 : vector<16xi32>
      %broadcast_in_dim3A = arith.constant 0 : i32
      %broadcast_in_dim3A_59 = vector.broadcast %broadcast_in_dim3A : i32 to vector<16xi32>
      %broadcast_in_dim3A_60 = arith.constant 0xFF800000 : f32
      %broadcast_in_dim3A_61 = vector.broadcast %broadcast_in_dim3A_60 : f32 to vector<16xf32>
      %broadcast_in_dim3A_62 = arith.constant 0 : i32
      %broadcast_in_dim3A_63 = vector.broadcast %broadcast_in_dim3A_62 : i32 to vector<16xi32>
      %broadcast_in_dim3A_64 = arith.constant 1 : i32
      %broadcast_in_dim3A_65 = vector.broadcast %broadcast_in_dim3A_64 : i32 to vector<16xi32>
      %gt3A = arith.cmpf ogt, %gather3A_27, %gather3A : vector<16xf32>
      %gt3A_66 = arith.cmpf ogt, %gather3A_27, %broadcast_in_dim3A_61 : vector<16xf32>
      %select_n3A = arith.select %gt3A_66, %broadcast_in_dim3A_65, %broadcast_in_dim3A_63 : vector<16xi1>, vector<16xi32>
      %select_n3A_67 = arith.select %gt3A, %broadcast_in_dim3A_59, %select_n3A : vector<16xi1>, vector<16xi32>
      %select_n3A_68 = arith.select %gt3A_66, %gather3A_27, %broadcast_in_dim3A_61 : vector<16xi1>, vector<16xf32>
      %select_n3A_69 = arith.select %gt3A, %gather3A, %select_n3A_68 : vector<16xi1>, vector<16xf32>
      %select_n3A_70 = arith.select %gt3A, %broadcast_in_dim3A_65, %broadcast_in_dim3A_59 : vector<16xi1>, vector<16xi32>
      %select_n3A_71 = arith.select %gt3A, %gather3A_27, %gather3A : vector<16xi1>, vector<16xf32>
      %broadcast_in_dim3A_72 = arith.constant 2 : i32
      %broadcast_in_dim3A_73 = vector.broadcast %broadcast_in_dim3A_72 : i32 to vector<16xi32>
      %gt3A_74 = arith.cmpf ogt, %gather3A_31, %select_n3A_71 : vector<16xf32>
      %gt3A_75 = arith.cmpf ogt, %gather3A_31, %select_n3A_69 : vector<16xf32>
      %select_n3A_76 = arith.select %gt3A_75, %broadcast_in_dim3A_73, %select_n3A_67 : vector<16xi1>, vector<16xi32>
      %select_n3A_77 = arith.select %gt3A_74, %select_n3A_70, %select_n3A_76 : vector<16xi1>, vector<16xi32>
      %select_n3A_78 = arith.select %gt3A_75, %gather3A_31, %select_n3A_69 : vector<16xi1>, vector<16xf32>
      %select_n3A_79 = arith.select %gt3A_74, %select_n3A_71, %select_n3A_78 : vector<16xi1>, vector<16xf32>
      %select_n3A_80 = arith.select %gt3A_74, %broadcast_in_dim3A_73, %select_n3A_70 : vector<16xi1>, vector<16xi32>
      %select_n3A_81 = arith.select %gt3A_74, %gather3A_31, %select_n3A_71 : vector<16xi1>, vector<16xf32>
      %broadcast_in_dim3A_82 = arith.constant 3 : i32
      %broadcast_in_dim3A_83 = vector.broadcast %broadcast_in_dim3A_82 : i32 to vector<16xi32>
      %gt3A_84 = arith.cmpf ogt, %gather3A_35, %select_n3A_81 : vector<16xf32>
      %gt3A_85 = arith.cmpf ogt, %gather3A_35, %select_n3A_79 : vector<16xf32>
      %select_n3A_86 = arith.select %gt3A_85, %broadcast_in_dim3A_83, %select_n3A_77 : vector<16xi1>, vector<16xi32>
      %select_n3A_87 = arith.select %gt3A_84, %select_n3A_80, %select_n3A_86 : vector<16xi1>, vector<16xi32>
      %select_n3A_88 = arith.select %gt3A_85, %gather3A_35, %select_n3A_79 : vector<16xi1>, vector<16xf32>
      %select_n3A_89 = arith.select %gt3A_84, %select_n3A_81, %select_n3A_88 : vector<16xi1>, vector<16xf32>
      %select_n3A_90 = arith.select %gt3A_84, %broadcast_in_dim3A_83, %select_n3A_80 : vector<16xi1>, vector<16xi32>
      %select_n3A_91 = arith.select %gt3A_84, %gather3A_35, %select_n3A_81 : vector<16xi1>, vector<16xf32>
      %broadcast_in_dim3A_92 = arith.constant 4 : i32
      %broadcast_in_dim3A_93 = vector.broadcast %broadcast_in_dim3A_92 : i32 to vector<16xi32>
      %gt3A_94 = arith.cmpf ogt, %gather3A_39, %select_n3A_91 : vector<16xf32>
      %gt3A_95 = arith.cmpf ogt, %gather3A_39, %select_n3A_89 : vector<16xf32>
      %select_n3A_96 = arith.select %gt3A_95, %broadcast_in_dim3A_93, %select_n3A_87 : vector<16xi1>, vector<16xi32>
      %select_n3A_97 = arith.select %gt3A_94, %select_n3A_90, %select_n3A_96 : vector<16xi1>, vector<16xi32>
      %select_n3A_98 = arith.select %gt3A_95, %gather3A_39, %select_n3A_89 : vector<16xi1>, vector<16xf32>
      %select_n3A_99 = arith.select %gt3A_94, %select_n3A_91, %select_n3A_98 : vector<16xi1>, vector<16xf32>
      %select_n3A_100 = arith.select %gt3A_94, %broadcast_in_dim3A_93, %select_n3A_90 : vector<16xi1>, vector<16xi32>
      %select_n3A_101 = arith.select %gt3A_94, %gather3A_39, %select_n3A_91 : vector<16xi1>, vector<16xf32>
      %broadcast_in_dim3A_102 = arith.constant 5 : i32
      %broadcast_in_dim3A_103 = vector.broadcast %broadcast_in_dim3A_102 : i32 to vector<16xi32>
      %gt3A_104 = arith.cmpf ogt, %gather3A_43, %select_n3A_101 : vector<16xf32>
      %gt3A_105 = arith.cmpf ogt, %gather3A_43, %select_n3A_99 : vector<16xf32>
      %select_n3A_106 = arith.select %gt3A_105, %broadcast_in_dim3A_103, %select_n3A_97 : vector<16xi1>, vector<16xi32>
      %select_n3A_107 = arith.select %gt3A_104, %select_n3A_100, %select_n3A_106 : vector<16xi1>, vector<16xi32>
      %select_n3A_108 = arith.select %gt3A_105, %gather3A_43, %select_n3A_99 : vector<16xi1>, vector<16xf32>
      %select_n3A_109 = arith.select %gt3A_104, %select_n3A_101, %select_n3A_108 : vector<16xi1>, vector<16xf32>
      %select_n3A_110 = arith.select %gt3A_104, %broadcast_in_dim3A_103, %select_n3A_100 : vector<16xi1>, vector<16xi32>
      %select_n3A_111 = arith.select %gt3A_104, %gather3A_43, %select_n3A_101 : vector<16xi1>, vector<16xf32>
      %broadcast_in_dim3A_112 = arith.constant 6 : i32
      %broadcast_in_dim3A_113 = vector.broadcast %broadcast_in_dim3A_112 : i32 to vector<16xi32>
      %gt3A_114 = arith.cmpf ogt, %gather3A_47, %select_n3A_111 : vector<16xf32>
      %gt3A_115 = arith.cmpf ogt, %gather3A_47, %select_n3A_109 : vector<16xf32>
      %select_n3A_116 = arith.select %gt3A_115, %broadcast_in_dim3A_113, %select_n3A_107 : vector<16xi1>, vector<16xi32>
      %select_n3A_117 = arith.select %gt3A_114, %select_n3A_110, %select_n3A_116 : vector<16xi1>, vector<16xi32>
      %select_n3A_118 = arith.select %gt3A_115, %gather3A_47, %select_n3A_109 : vector<16xi1>, vector<16xf32>
      %select_n3A_119 = arith.select %gt3A_114, %select_n3A_111, %select_n3A_118 : vector<16xi1>, vector<16xf32>
      %select_n3A_120 = arith.select %gt3A_114, %broadcast_in_dim3A_113, %select_n3A_110 : vector<16xi1>, vector<16xi32>
      %select_n3A_121 = arith.select %gt3A_114, %gather3A_47, %select_n3A_111 : vector<16xi1>, vector<16xf32>
      %broadcast_in_dim3A_122 = arith.constant 7 : i32
      %broadcast_in_dim3A_123 = vector.broadcast %broadcast_in_dim3A_122 : i32 to vector<16xi32>
      %gt3A_124 = arith.cmpf ogt, %gather3A_51, %select_n3A_121 : vector<16xf32>
      %gt3A_125 = arith.cmpf ogt, %gather3A_51, %select_n3A_119 : vector<16xf32>
      %select_n3A_126 = arith.select %gt3A_125, %broadcast_in_dim3A_123, %select_n3A_117 : vector<16xi1>, vector<16xi32>
      %select_n3A_127 = arith.select %gt3A_124, %select_n3A_120, %select_n3A_126 : vector<16xi1>, vector<16xi32>
      %select_n3A_128 = arith.select %gt3A_125, %gather3A_51, %select_n3A_119 : vector<16xi1>, vector<16xf32>
      %select_n3A_129 = arith.select %gt3A_124, %select_n3A_121, %select_n3A_128 : vector<16xi1>, vector<16xf32>
      %select_n3A_130 = arith.select %gt3A_124, %broadcast_in_dim3A_123, %select_n3A_120 : vector<16xi1>, vector<16xi32>
      %select_n3A_131 = arith.select %gt3A_124, %gather3A_51, %select_n3A_121 : vector<16xi1>, vector<16xf32>
      %sub3A = arith.subf %select_n3A_129, %select_n3A_131 : vector<16xf32>
      %exp3A = math.exp %sub3A : vector<16xf32>
      %add3A_132 = arith.constant 1.000000e+00 : f32
      %add3A_133 = vector.broadcast %add3A_132 : f32 to vector<16xf32>
      %add3A_134 = arith.addf %add3A_133, %exp3A : vector<16xf32>
      %div3A = arith.constant 1.000000e+00 : f32
      %div3A_135 = vector.broadcast %div3A : f32 to vector<16xf32>
      %div3A_136 = arith.divf %div3A_135, %add3A_134 : vector<16xf32>
      %mul3A_137 = arith.mulf %exp3A, %div3A_136 : vector<16xf32>
      %broadcast_in_dim3A_138 = arith.constant 0.000000e+00 : f32
      %broadcast_in_dim3A_139 = vector.broadcast %broadcast_in_dim3A_138 : f32 to vector<16xf32>
      %broadcast_in_dim3A_140 = arith.constant 0 : i32
      %broadcast_in_dim3A_141 = vector.broadcast %broadcast_in_dim3A_140 : i32 to vector<16xi32>
      %eq3A = arith.cmpi eq, %select_n3A_130, %broadcast_in_dim3A_141 : vector<16xi32>
      %eq3A_142 = arith.cmpi eq, %select_n3A_127, %broadcast_in_dim3A_141 : vector<16xi32>
      %select_n3A_143 = arith.select %eq3A_142, %mul3A_137, %broadcast_in_dim3A_139 : vector<16xi1>, vector<16xf32>
      %select_n3A_144 = arith.select %eq3A, %div3A_136, %select_n3A_143 : vector<16xi1>, vector<16xf32>
      %add3A_145 = arith.constant 0 : i32
      %add3A_146 = vector.broadcast %add3A_145 : i32 to vector<16xi32>
      %add3A_147 = arith.addi %add3A_20, %add3A_146 : vector<16xi32>
      tpu.vector_store_idx %arg6[%add3A_147], %select_n3A_144 : memref<8192xf32, #tpu.memory_space<vmem>>[vector<16xi32>], vector<16xf32>,
      %broadcast_in_dim3A_148 = arith.constant 1 : i32
      %broadcast_in_dim3A_149 = vector.broadcast %broadcast_in_dim3A_148 : i32 to vector<16xi32>
      %eq3A_150 = arith.cmpi eq, %select_n3A_130, %broadcast_in_dim3A_149 : vector<16xi32>
      %eq3A_151 = arith.cmpi eq, %select_n3A_127, %broadcast_in_dim3A_149 : vector<16xi32>
      %select_n3A_152 = arith.select %eq3A_151, %mul3A_137, %broadcast_in_dim3A_139 : vector<16xi1>, vector<16xf32>
      %select_n3A_153 = arith.select %eq3A_150, %div3A_136, %select_n3A_152 : vector<16xi1>, vector<16xf32>
      %add3A_154 = arith.constant 1 : i32
      %add3A_155 = vector.broadcast %add3A_154 : i32 to vector<16xi32>
      %add3A_156 = arith.addi %add3A_20, %add3A_155 : vector<16xi32>
      tpu.vector_store_idx %arg6[%add3A_156], %select_n3A_153 : memref<8192xf32, #tpu.memory_space<vmem>>[vector<16xi32>], vector<16xf32>,
      %broadcast_in_dim3A_157 = arith.constant 2 : i32
      %broadcast_in_dim3A_158 = vector.broadcast %broadcast_in_dim3A_157 : i32 to vector<16xi32>
      %eq3A_159 = arith.cmpi eq, %select_n3A_130, %broadcast_in_dim3A_158 : vector<16xi32>
      %eq3A_160 = arith.cmpi eq, %select_n3A_127, %broadcast_in_dim3A_158 : vector<16xi32>
      %select_n3A_161 = arith.select %eq3A_160, %mul3A_137, %broadcast_in_dim3A_139 : vector<16xi1>, vector<16xf32>
      %select_n3A_162 = arith.select %eq3A_159, %div3A_136, %select_n3A_161 : vector<16xi1>, vector<16xf32>
      %add3A_163 = arith.constant 2 : i32
      %add3A_164 = vector.broadcast %add3A_163 : i32 to vector<16xi32>
      %add3A_165 = arith.addi %add3A_20, %add3A_164 : vector<16xi32>
      tpu.vector_store_idx %arg6[%add3A_165], %select_n3A_162 : memref<8192xf32, #tpu.memory_space<vmem>>[vector<16xi32>], vector<16xf32>,
      %broadcast_in_dim3A_166 = arith.constant 3 : i32
      %broadcast_in_dim3A_167 = vector.broadcast %broadcast_in_dim3A_166 : i32 to vector<16xi32>
      %eq3A_168 = arith.cmpi eq, %select_n3A_130, %broadcast_in_dim3A_167 : vector<16xi32>
      %eq3A_169 = arith.cmpi eq, %select_n3A_127, %broadcast_in_dim3A_167 : vector<16xi32>
      %select_n3A_170 = arith.select %eq3A_169, %mul3A_137, %broadcast_in_dim3A_139 : vector<16xi1>, vector<16xf32>
      %select_n3A_171 = arith.select %eq3A_168, %div3A_136, %select_n3A_170 : vector<16xi1>, vector<16xf32>
      %add3A_172 = arith.constant 3 : i32
      %add3A_173 = vector.broadcast %add3A_172 : i32 to vector<16xi32>
      %add3A_174 = arith.addi %add3A_20, %add3A_173 : vector<16xi32>
      tpu.vector_store_idx %arg6[%add3A_174], %select_n3A_171 : memref<8192xf32, #tpu.memory_space<vmem>>[vector<16xi32>], vector<16xf32>,
      %broadcast_in_dim3A_175 = arith.constant 4 : i32
      %broadcast_in_dim3A_176 = vector.broadcast %broadcast_in_dim3A_175 : i32 to vector<16xi32>
      %eq3A_177 = arith.cmpi eq, %select_n3A_130, %broadcast_in_dim3A_176 : vector<16xi32>
      %eq3A_178 = arith.cmpi eq, %select_n3A_127, %broadcast_in_dim3A_176 : vector<16xi32>
      %select_n3A_179 = arith.select %eq3A_178, %mul3A_137, %broadcast_in_dim3A_139 : vector<16xi1>, vector<16xf32>
      %select_n3A_180 = arith.select %eq3A_177, %div3A_136, %select_n3A_179 : vector<16xi1>, vector<16xf32>
      %add3A_181 = arith.constant 4 : i32
      %add3A_182 = vector.broadcast %add3A_181 : i32 to vector<16xi32>
      %add3A_183 = arith.addi %add3A_20, %add3A_182 : vector<16xi32>
      tpu.vector_store_idx %arg6[%add3A_183], %select_n3A_180 : memref<8192xf32, #tpu.memory_space<vmem>>[vector<16xi32>], vector<16xf32>,
      %broadcast_in_dim3A_184 = arith.constant 5 : i32
      %broadcast_in_dim3A_185 = vector.broadcast %broadcast_in_dim3A_184 : i32 to vector<16xi32>
      %eq3A_186 = arith.cmpi eq, %select_n3A_130, %broadcast_in_dim3A_185 : vector<16xi32>
      %eq3A_187 = arith.cmpi eq, %select_n3A_127, %broadcast_in_dim3A_185 : vector<16xi32>
      %select_n3A_188 = arith.select %eq3A_187, %mul3A_137, %broadcast_in_dim3A_139 : vector<16xi1>, vector<16xf32>
      %select_n3A_189 = arith.select %eq3A_186, %div3A_136, %select_n3A_188 : vector<16xi1>, vector<16xf32>
      %add3A_190 = arith.constant 5 : i32
      %add3A_191 = vector.broadcast %add3A_190 : i32 to vector<16xi32>
      %add3A_192 = arith.addi %add3A_20, %add3A_191 : vector<16xi32>
      tpu.vector_store_idx %arg6[%add3A_192], %select_n3A_189 : memref<8192xf32, #tpu.memory_space<vmem>>[vector<16xi32>], vector<16xf32>,
      %broadcast_in_dim3A_193 = arith.constant 6 : i32
      %broadcast_in_dim3A_194 = vector.broadcast %broadcast_in_dim3A_193 : i32 to vector<16xi32>
      %eq3A_195 = arith.cmpi eq, %select_n3A_130, %broadcast_in_dim3A_194 : vector<16xi32>
      %eq3A_196 = arith.cmpi eq, %select_n3A_127, %broadcast_in_dim3A_194 : vector<16xi32>
      %select_n3A_197 = arith.select %eq3A_196, %mul3A_137, %broadcast_in_dim3A_139 : vector<16xi1>, vector<16xf32>
      %select_n3A_198 = arith.select %eq3A_195, %div3A_136, %select_n3A_197 : vector<16xi1>, vector<16xf32>
      %add3A_199 = arith.constant 6 : i32
      %add3A_200 = vector.broadcast %add3A_199 : i32 to vector<16xi32>
      %add3A_201 = arith.addi %add3A_20, %add3A_200 : vector<16xi32>
      tpu.vector_store_idx %arg6[%add3A_201], %select_n3A_198 : memref<8192xf32, #tpu.memory_space<vmem>>[vector<16xi32>], vector<16xf32>,
      %broadcast_in_dim3A_202 = arith.constant 7 : i32
      %broadcast_in_dim3A_203 = vector.broadcast %broadcast_in_dim3A_202 : i32 to vector<16xi32>
      %eq3A_204 = arith.cmpi eq, %select_n3A_130, %broadcast_in_dim3A_203 : vector<16xi32>
      %eq3A_205 = arith.cmpi eq, %select_n3A_127, %broadcast_in_dim3A_203 : vector<16xi32>
      %select_n3A_206 = arith.select %eq3A_205, %mul3A_137, %broadcast_in_dim3A_139 : vector<16xi1>, vector<16xf32>
      %select_n3A_207 = arith.select %eq3A_204, %div3A_136, %select_n3A_206 : vector<16xi1>, vector<16xf32>
      %add3A_208 = arith.constant 7 : i32
      %add3A_209 = vector.broadcast %add3A_208 : i32 to vector<16xi32>
      %add3A_210 = arith.addi %add3A_20, %add3A_209 : vector<16xi32>
      tpu.vector_store_idx %arg6[%add3A_210], %select_n3A_207 : memref<8192xf32, #tpu.memory_space<vmem>>[vector<16xi32>], vector<16xf32>,
      tpu.vector_store_idx %arg7[%add3A_58], %select_n3A_130 : memref<2048xi32, #tpu.memory_space<vmem>>[vector<16xi32>], vector<16xi32>,
      %add3A_211 = arith.constant 1 : i32
      %add3A_212 = vector.broadcast %add3A_211 : i32 to vector<16xi32>
      %add3A_213 = arith.addi %add3A_58, %add3A_212 : vector<16xi32>
      tpu.vector_store_idx %arg7[%add3A_213], %select_n3A_127 : memref<2048xi32, #tpu.memory_space<vmem>>[vector<16xi32>], vector<16xi32>,
    }
    %scan3A_8 = arith.constant 64 : i32
    %mul3A_9 = arith.constant 8 : i32
    %mul3A_10 = arith.muli %mul3A_2, %mul3A_9 : i32
    "tpu.region"() ({
      %run_scoped3A = tpu.sem_alloc : memref<!tpu.dma_semaphore, #tpu.memory_space<semaphore_mem>>
      %dma_start3A = tpu.memref_slice %arg3[%mul3A_10] : memref<262144xf32, #tpu.memory_space<hbm>> -> memref<8192xf32, #tpu.memory_space<hbm>>
      %dma_start3A_13 = tpu.memref_slice %arg3[%mul3A_10] : memref<262144xf32, #tpu.memory_space<hbm>> -> memref<8192xf32, #tpu.memory_space<hbm>>
      tpu.enqueue_dma source(%arg6 : memref<8192xf32, #tpu.memory_space<vmem>>) target(%dma_start3A_13 : memref<8192xf32, #tpu.memory_space<hbm>>) target_semaphore(%run_scoped3A : memref<!tpu.dma_semaphore, #tpu.memory_space<semaphore_mem>>)
      %dma_wait3A = tpu.memref_slice %arg3[%mul3A_10] : memref<262144xf32, #tpu.memory_space<hbm>> -> memref<8192xf32, #tpu.memory_space<hbm>>
      %dma_wait3A_14 = tpu.memref_slice %arg3[%mul3A_10] : memref<262144xf32, #tpu.memory_space<hbm>> -> memref<8192xf32, #tpu.memory_space<hbm>>
      tpu.wait_dma2 semaphore(%run_scoped3A : memref<!tpu.dma_semaphore, #tpu.memory_space<semaphore_mem>>) src(%arg6 : memref<8192xf32, #tpu.memory_space<vmem>>) dst(%dma_wait3A_14 : memref<8192xf32, #tpu.memory_space<hbm>>)
      tpu.yield
    }) : () -> ()
    %mul3A_11 = arith.constant 2 : i32
    %mul3A_12 = arith.muli %mul3A_2, %mul3A_11 : i32
    "tpu.region"() ({
      %run_scoped3A = tpu.sem_alloc : memref<!tpu.dma_semaphore, #tpu.memory_space<semaphore_mem>>
      %dma_start3A = tpu.memref_slice %arg4[%mul3A_12] : memref<65536xi32, #tpu.memory_space<hbm>> -> memref<2048xi32, #tpu.memory_space<hbm>>
      %dma_start3A_13 = tpu.memref_slice %arg4[%mul3A_12] : memref<65536xi32, #tpu.memory_space<hbm>> -> memref<2048xi32, #tpu.memory_space<hbm>>
      tpu.enqueue_dma source(%arg7 : memref<2048xi32, #tpu.memory_space<vmem>>) target(%dma_start3A_13 : memref<2048xi32, #tpu.memory_space<hbm>>) target_semaphore(%run_scoped3A : memref<!tpu.dma_semaphore, #tpu.memory_space<semaphore_mem>>)
      %dma_wait3A = tpu.memref_slice %arg4[%mul3A_12] : memref<65536xi32, #tpu.memory_space<hbm>> -> memref<2048xi32, #tpu.memory_space<hbm>>
      %dma_wait3A_14 = tpu.memref_slice %arg4[%mul3A_12] : memref<65536xi32, #tpu.memory_space<hbm>> -> memref<2048xi32, #tpu.memory_space<hbm>>
      tpu.wait_dma2 semaphore(%run_scoped3A : memref<!tpu.dma_semaphore, #tpu.memory_space<semaphore_mem>>) src(%arg7 : memref<2048xi32, #tpu.memory_space<vmem>>) dst(%dma_wait3A_14 : memref<2048xi32, #tpu.memory_space<hbm>>)
      tpu.yield
    }) : () -> ()
    return
  }
}

module attributes {stable_mosaic.version = 14 : i64} {
  func.func @_logits_body(%arg0: i32, %arg1: memref<4096x768xf32, #tpu.memory_space<vmem>>, %arg2: memref<768x8xf32, #tpu.memory_space<vmem>>, %arg3: memref<1x8xf32, #tpu.memory_space<vmem>>, %arg4: memref<4096x8xf32, #tpu.memory_space<vmem>>) attributes {dimension_semantics = [#tpu.dimension_semantics<arbitrary>], iteration_bounds = array<i64: 8>, scalar_prefetch = 0 : i64, scratch_operands = 0 : i64, tpu.core_type = #tpu.core_type<tc>, window_params = [{transform_indices = @transform_0, window_bounds = array<i64: 4096, 768>}, {pipeline_mode = #tpu.pipeline_mode<synchronous>, transform_indices = @transform_1, window_bounds = array<i64: 768, 8>}, {pipeline_mode = #tpu.pipeline_mode<synchronous>, transform_indices = @transform_2, window_bounds = array<i64: 1, 8>}, {transform_indices = @transform_3, window_bounds = array<i64: 4096, 8>}]} {
    %get3A = arith.constant 0 : index
    %get3A_0 = arith.constant 0 : index
    %get3A_1 = vector.load %arg1[%get3A, %get3A_0] : memref<4096x768xf32, #tpu.memory_space<vmem>>, vector<4096x768xf32>
    %get3A_2 = arith.constant 0 : index
    %get3A_3 = arith.constant 0 : index
    %get3A_4 = vector.load %arg2[%get3A_2, %get3A_3] : memref<768x8xf32, #tpu.memory_space<vmem>>, vector<768x8xf32>
    %dot_general3A = arith.constant dense<0.000000e+00> : vector<4096x8xf32>
    %dot_general3A_5 = tpu.matmul %get3A_1, %get3A_4, %dot_general3A {dimension_numbers = #tpu.dot_dimension_numbers<[1], [0], [0], [1], [0, 0, 1, 1], [], []>, transpose_lhs_hint = false} : vector<4096x768xf32>, vector<768x8xf32>, vector<4096x8xf32> -> vector<4096x8xf32>
    %get3A_6 = arith.constant 0 : index
    %get3A_7 = arith.constant 0 : index
    %get3A_8 = vector.load %arg3[%get3A_6, %get3A_7] : memref<1x8xf32, #tpu.memory_space<vmem>>, vector<1x8xf32>
    %add3A = vector.broadcast %get3A_8 : vector<1x8xf32> to vector<4096x8xf32>
    %add3A_9 = arith.addf %dot_general3A_5, %add3A : vector<4096x8xf32>
    %swap3A = arith.constant 0 : index
    %swap3A_10 = arith.constant 0 : index
    %swap3A_11 = vector.load %arg4[%swap3A, %swap3A_10] : memref<4096x8xf32, #tpu.memory_space<vmem>>, vector<4096x8xf32>
    tpu.vector_store %arg4[%swap3A, %swap3A_10], %add3A_9 {strides = array<i32>} : memref<4096x8xf32, #tpu.memory_space<vmem>>, vector<4096x8xf32>,
    return
  }
  func.func @transform_0(%arg0: i32) -> (i32, i32) {
    %c0_i32 = arith.constant 0 : i32
    %c0_i32_0 = arith.constant 0 : i32
    return %arg0, %c0_i32 : i32, i32
  }
  func.func @transform_1(%arg0: i32) -> (i32, i32) {
    %c0_i32 = arith.constant 0 : i32
    %c0_i32_0 = arith.constant 0 : i32
    %c0_i32_1 = arith.constant 0 : i32
    return %c0_i32, %c0_i32_0 : i32, i32
  }
  func.func @transform_2(%arg0: i32) -> (i32, i32) {
    %c0_i32 = arith.constant 0 : i32
    %c0_i32_0 = arith.constant 0 : i32
    %c0_i32_1 = arith.constant 0 : i32
    return %c0_i32, %c0_i32_0 : i32, i32
  }
  func.func @transform_3(%arg0: i32) -> (i32, i32) {
    %c0_i32 = arith.constant 0 : i32
    %c0_i32_0 = arith.constant 0 : i32
    return %arg0, %c0_i32 : i32, i32
  }
}

</mosaic_0001>

<sc_bundles>
// kernel: kernel.4.cloned.1.call-start
scs
__scs_entry_jumppad:
0x0: {  	(pc) =	sbr.rel $0x88, $3  }
0x1: {  	(tag) =	ssettag $0x0;
	lr =	simm.s32 $0x1  }
0x2: {  	[smem:$0x3F9E] =	sst lr;
	_ =	strace $0xD0000000  }
0x3: {  	_ = 	snop  }
0x4: {  	_ = 	snop  }
0x5: {  	_ = 	snop  }
0x6: {  	_ = 	snop  }
0x7: {  	_ = 	snop  }
__scs_overlays_trampoline_lowered:
0x8: {  	[smem:$0x3FAD] =	sst s0  }
0x9: {  	[smem:$0x3FAE] =	sst s1  }
0xa: {  	[smem:$0x3FAF] =	sst s2  }
0xb: {  	[smem:$0x3FB0] =	sst s3  }
0xc: {  	[smem:$0x3FB1] =	sst s4  }
0xd: {  	[smem:$0x3FB2] =	sst s5  }
0xe: {  	[smem:$0x3FB3] =	sst s6  }
0xf: {  	[smem:$0x3FB4] =	sst s7  }
0x10: {  	[smem:$0x3FB5] =	sst s8  }
0x11: {  	[smem:$0x3FB6] =	sst s9;
	s0 =	simm.s32 @!p0 $0x0  }
0x12: {  	s1 =	sld [smem:$0x3F9C];
	s0 =	simm.s32 @p0 $0x1  }
0x13: {  	[smem:$0x3FB7] =	sst s0;
	s0 =	simm.s32 @!p1 $0x0  }
0x14: {  	s2 =	sld [smem:$0x3F9B];
	s0 =	simm.s32 @p1 $0x1  }
0x15: {  	[smem:$0x3FB8] =	sst s0;
	s0 =	simm.s32 @!p2 $0x0  }
0x16: {  	s3 =	sld [smem:$0x3FDB];
	s0 =	simm.s32 @p2 $0x1  }
0x17: {  	s4 =	simm.s32 $0x1BF5;
	[smem:$0x3FBA] =	sst s0  }
0x18: {  	s0 =	sld [smem:$0x3F9D];
	_ =	swait.ge [sflag:s4], $0x0  }
0x19: {  	s7 =	sld [smem:$0x3F9E]  }
0x1a: {  	s8 =	sadd.s32 $0xFFFFE003, lr  }
0x1b: {  	s9 =	sadd.s32 $0xFFFFFEF7, lr;
	s5 =	simm.s32 $0xFFFFFFFF;
	p2 =	slt.u32 s8, $0xFFFFF086  }
0x1c: {  	p1 =	slt.u32 s9, $0xF7A;
	s5 =	simm.s32 @!p2 $0x0  }
0x1d: {  	s5 =	simm.s32 @p1 $0x1;
	p0 =	seq.s32 s7, s2  }
0x1e: {  	s7 =	smul.u32 @!p0 $0xF7A, s2;
	p2 =	seq.s32 @!p0 s5, $0x0  }
0x1f: {  	s9 =	smul.u32 $0xF7A, s1;
	s8 =	simm.s32 @!p0 $0x1BF5;
	p2 =	por !p2, p0  }
0x20: {  	[sflag:s8] =	ssyncset.s32 @!p0 $0xFFFFF086;
	s6 =	sadd.s32 @!p0 s3, s7;
	s7 =	simm.s32 @!p0 $0x108  }
0x21: {  	s3 =	sadd.s32 s3, s9;
	s6 =	sadd.s32 @!p0 $0x88, s6;
	s7 =	simm.s32 @p2 $0x1082  }
0x22: {  	[simem:s7], [sflag:s8] =	dma.local @!p0 [hbm:s6], $0xF7A  }
0x23: {  	s9 =	sor.u32 $0xD0000000, s2;
	s6 =	simm.s32 $0x108;
	_ =	swait.ge @!p0 [sflag:s8], $0x0  }
0x24: {  	s3 =	sadd.s32 $0x88, s3;
	s6 =	simm.s32 @!p1 $0x1082;
	[sflag:s4] =	ssyncset.s32 $0xFFFFF086  }
0x25: {  	[simem:s6], [sflag:s4] =	dma.local [hbm:s3], $0xF7A  }
0x26: {  	[smem:$0x3F9E] =	sst s1;
	(tag) =	ssettag s2;
	_ =	strace s9  }
0x27: {  	s1 =	sld [smem:$0x3FAE]  }
0x28: {  	s2 =	sld [smem:$0x3FAF]  }
0x29: {  	s4 =	sld [smem:$0x3FB1]  }
0x2a: {  	p0 =	seq.s32 s5, $0x0;
	s5 =	sld [smem:$0x3FB2]  }
0x2b: {  	s6 =	sld [smem:$0x3FB3]  }
0x2c: {  	s7 =	sld [smem:$0x3FB4]  }
0x2d: {  	s3 =	simm.s32 $0x108;
	s8 =	sld [smem:$0x3FB5]  }
0x2e: {  	s3 =	simm.s32 @!p0 $0x1082;
	s9 =	sld [smem:$0x3FB6]  }
0x2f: {  	lr =	sadd.s32 s0, s3;
	s0 =	sld [smem:$0x3FAD]  }
0x30: {  	s3 =	sld [smem:$0x3FB0]  }
0x31: {  	[smem:$0x3FB9] =	sst s10  }
0x32: {  	s10 =	sld [smem:$0x3FB7];
	_ =	sdelay $0x3  }
0x33: {  	p0 =	seq.s32 s10, $0x1;
	s10 =	sld [smem:$0x3FB9];
	_ =	sdelay $0x3  }
0x34: {  	[smem:$0x3FB9] =	sst s10  }
0x35: {  	s10 =	sld [smem:$0x3FB8];
	_ =	sdelay $0x3  }
0x36: {  	p1 =	seq.s32 s10, $0x1;
	s10 =	sld [smem:$0x3FB9];
	_ =	sdelay $0x3  }
0x37: {  	[smem:$0x3FB9] =	sst s10  }
0x38: {  	s10 =	sld [smem:$0x3FBA]  }
0x39: {  	_ = 	snop;
	(pc) =	sbr.ind lr, $3  }
0x3a: {  	_ = 	snop  }
0x3b: {  	_ = 	snop  }
0x3c: {  	p2 =	seq.s32 s10, $0x1;
	s10 =	sld [smem:$0x3FB9]  }
0x3d: {  	_ =	shalt  }
0x3e: {  	_ =	shalt  }
0x3f: {  	_ =	shalt  }
0x40: {  	_ =	shalt  }
0x41: {  	_ =	shalt  }
0x42: {  	_ =	shalt  }
0x43: {  	_ =	shalt  }
0x44: {  	_ =	shalt  }
0x45: {  	_ =	shalt  }
0x46: {  	_ =	shalt  }
0x47: {  	_ =	shalt  }
0x48: {  	_ =	shalt  }
0x49: {  	_ =	shalt  }
0x4a: {  	_ =	shalt  }
0x4b: {  	_ =	shalt  }
0x4c: {  	_ =	shalt  }
0x4d: {  	_ =	shalt  }
0x4e: {  	_ =	shalt  }
0x4f: {  	_ =	shalt  }
0x50: {  	_ =	shalt  }
0x51: {  	_ =	shalt  }
0x52: {  	_ =	shalt  }
0x53: {  	_ =	shalt  }
0x54: {  	_ =	shalt  }
0x55: {  	_ =	shalt  }
0x56: {  	_ =	shalt  }
0x57: {  	_ =	shalt  }
0x58: {  	_ =	shalt  }
0x59: {  	_ =	shalt  }
0x5a: {  	_ =	shalt  }
0x5b: {  	_ =	shalt  }
0x5c: {  	_ =	shalt  }
0x5d: {  	_ =	shalt  }
0x5e: {  	_ =	shalt  }
0x5f: {  	_ =	shalt  }
0x60: {  	_ =	shalt  }
0x61: {  	_ =	shalt  }
0x62: {  	_ =	shalt  }
0x63: {  	_ =	shalt  }
0x64: {  	_ =	shalt  }
0x65: {  	_ =	shalt  }
0x66: {  	_ =	shalt  }
0x67: {  	_ =	shalt  }
0x68: {  	_ =	shalt  }
0x69: {  	_ =	shalt  }
0x6a: {  	_ =	shalt  }
0x6b: {  	_ =	shalt  }
0x6c: {  	_ =	shalt  }
0x6d: {  	_ =	shalt  }
0x6e: {  	_ =	shalt  }
0x6f: {  	_ =	shalt  }
0x70: {  	_ =	shalt  }
0x71: {  	_ =	shalt  }
0x72: {  	_ =	shalt  }
0x73: {  	_ =	shalt  }
0x74: {  	_ =	shalt  }
0x75: {  	_ =	shalt  }
0x76: {  	_ =	shalt  }
0x77: {  	_ =	shalt  }
0x78: {  	_ =	shalt  }
0x79: {  	_ =	shalt  }
0x7a: {  	_ =	shalt  }
0x7b: {  	_ =	shalt  }
0x7c: {  	_ =	shalt  }
0x7d: {  	_ =	shalt  }
0x7e: {  	_ =	shalt  }
0x7f: {  	_ =	shalt  }
0x80: {  	_ =	shalt  }
0x81: {  	_ =	shalt  }
0x82: {  	_ =	shalt  }
0x83: {  	_ =	shalt  }
0x84: {  	_ =	shalt  }
0x85: {  	_ =	shalt  }
0x86: {  	_ =	shalt  }
0x87: {  	_ =	shalt  }
.Lfunc_end0:
.L_simem_size_0:
called_computation_lowered:
.L_overlay_start_0:
0x88: {  	s2 =	sld [smem:$0x3FD9]  }
0x89: {  	s3 =	sld [smem:$0x3FFE];
	_ =	sdelay $0x1  }
0x8a: {  	s1 =	srdreg.scid  }
0x8b: {  	s0 =	sand.u32 $0x1, s1  }
0x8c: {  	s14 =	sshll.u32 s0, $0xA;
	s2 =	sadd.s32 s3, s2  }
0x8d: {  	s2 =	sadd.s32 s2, s14  }
0x8e: {  	[smem:$0x3FC5] =	sst s2  }
0x8f: {  	_ = 	snop  }
0x90: {  	s2 =	sld [smem:$0x3FD0];
	_ =	sdelay $0x2  }
0x91: {  	s15 =	simm.s32 $0xA;
	s4 =	simm.s32 $0x10  }
0x92: {  	[smem:s4], [sflag:s15] =	dma.local [hbm:s2], $0x1  }
0x93: {  	_ =	swait.eq [sflag:s15], $0x1  }
0x94: {  	[sflag:s15] =	ssyncset.done $0x0  }
0x95: {  	s16 =	sld [smem:$0x10];
	[sflag:s15] =	ssyncadd.s32 $0xFFFFFFFF  }
0x96: {  	s17 =	sld [smem:$0x11];
	(tm) =	ssettm $0x1  }
0x97: {  	s18 =	sld [smem:$0x3FFB];
	_ =	sdelay $0x3  }
0x98: {  	_ =	strace s18  }
0x99: {  	s4 =	sld [smem:$0x3FFC];
	_ =	sdelay $0x3  }
0x9a: {  	_ =	strace s4  }
0x9b: {  	s4 =	sld [smem:$0x3FFD];
	_ =	sdelay $0x3  }
0x9c: {  	_ =	strace s4  }
0x9d: {  	_ =	strace $0x8FFFFFFF  }
0x9e: {  	s19 =	sld [smem:$0x3FDB];
	_ =	sdelay $0x1  }
0x9f: {  	s5 =	simm.s32 $_scs_section_size  }
0xa0: {  	s6 =	simm.s32 $_size__tile_overlayer_lowered;
	s7 =	simm.s32 $_tile_overlayer_lowered  }
0xa1: {  	s22 =	simm.s32 $0x1BFF;
	s21 =	sshll.u32 s7, $0x1;
	s4 =	sadd.s32 s5, s19  }
0xa2: {  	s8 =	simm.s32 $0x0;
	s20 =	sshll.u32 s6, $0x1;
	s6 =	sadd.s32 s21, s4  }
0xa3: {  	[timem:s8], [sflag:s22] =	dma.local [hbm:s6], s20  }
0xa4: {  	_ =	swait.ge [sflag:s22], s20  }
0xa5: {  	s5 =	ssub.s32 $0x0, s20;
	[sflag:s22] =	ssyncset.done $0x0  }
0xa6: {  	[sflag:s22] =	ssyncadd.s32 s5;
	_ =	sdelay $0x1  }
0xa7: {  	s23 =	simm.s32 $0x1B8B  }
0xa8: {  	_ =	swait.ge [sflag:s23], $0x1  }
0xa9: {  	[sflag:s23] =	ssyncset.done $0x0  }
0xaa: {  	s25 =	simm.s32 $0x1B8E;
	s24 =	sld [smem:$0x3FFE];
	[sflag:s23] =	ssyncadd.s32 $0xFFFFFFFF  }
0xab: {  	s26 =	simm.s32 $execute0_lowered;
	[smem:$0x3FD2] =	sst s25  }
0xac: {  	s6 =	sshll.u32 s26, $0x1;
	_ =	strace $0x80000046;
	[dreg:$0x1] =	wrdreg $0xFFFFFFFF  }
0xad: {  	s28 =	simm.s32 $_size_execute0_lowered;
	s4 =	sadd.s32 s4, s6;
	[dreg:$0x0] =	wrdreg $0x0  }
0xae: {  	s6 =	sshll.u32 s28, $0x1;
	[dreg:$0x2] =	wrdreg s4  }
0xaf: {  	[dreg:$0x3] =	wrdreg s6  }
0xb0: {  	[dreg:$0x4] =	wrdreg $0xC0  }
0xb1: {  	_ =	task [dreg:s8], $0x5FFFF  }
0xb2: {  	[dreg:$0x1] =	wrdreg $0xFFFFFFFF  }
0xb3: {  	[dreg:$0x0] =	wrdreg $0x60  }
0xb4: {  	[dreg:$0x2] =	wrdreg s16  }
0xb5: {  	[dreg:$0x3] =	wrdreg s24  }
0xb6: {  	[dreg:$0x4] =	wrdreg s17  }
0xb7: {  	[dreg:$0x5] =	wrdreg $0x9  }
0xb8: {  	_ =	task.clear_ibuf [dreg:s8], $0x6FFFF;
	_ =	strace $0x90000046  }
0xb9: {  	s29 =	simm.s32 $0x9;
	_ =	strace $0x80000048  }
0xba: {  	_ =	swait.ge [sflag:s29], $0x1  }
0xbb: {  	[sflag:s29] =	ssyncadd.s32 $0xFFFFFFFF  }
0xbc: {  	_ =	strace $0x90000048  }
0xbd: {  	_ =	sfence  }
0xbe: {  	s30 =	sld [smem:$0x0];
	_ =	sdelay $0x2  }
0xbf: {  	s31 =	sshll.u32 s1, $0xD;
	s1 =	sshrl.u32 s1, $0x2  }
0xc0: {  	s3 =	sand.u32 $0x4000, s31;
	s1 =	sadd.s32 s1, s30  }
0xc1: {  	s0 =	sor.u32 s3, s0;
	s1 =	sshll.u32 s1, $0x11  }
0xc2: {  	s0 =	sor.u32 s1, s0  }
0xc3: {  	s0 =	sadd.s32 $0x8F2B, s0  }
0xc4: {  	[sflag:s0] =	ssyncadd.remote.s32 $0x1  }
0xc5: {  	_ =	sfence.sel $0xFFFF  }
0xc6: {  	[dreg:$0x0] =	wrdreg $0xFFFFFFFF;
	(pc) =	sbr.abs _section_cstart, $3  }
0xc7: {  	[dreg:$0x1] =	wrdreg $0xFFFFFFFF  }
0xc8: {  	_ =	task.clear_ibuf [dreg:s8], $0x2FFFF;
	_ =	strace $0x9FFFFFFF  }
0xc9: {  	(tm) =	ssettm $0x7FFFFFFF  }
tec
execute0_lowered:
.L_overlay_start_1:
0x0: {  	(tag) =	ssettag $0x1  }
0x1: {  	s3 =	rddreg [dreg:$0x0]  }
0x2: {  	s4 =	rddreg [dreg:$0x1];
	s0 =	srdreg.scid  }
0x3: {  	s5 =	rddreg [dreg:$0x2];
	s1 =	stileid.u32  }
0x4: {  	s2 =	simm.s32 $0x0;
	s10 =	simm.s32 $0x0;
	s6 =	sand.u32 $0x1, s0  }
0x5: {  	v4 =	vlaneseq.u32;
	s0 =	rddreg [dreg:$0x3];
	s7 =	sshll.u32 s6, $0x4;
	s6 =	ssub.s32 $0x2, s6  }
0x6: {  	v0 =	vmul.u32 $0x8, v4;
	[smem:$0x7FF] =	sst s2;
	s7 =	sor.u32 s1, s7;
	s9 =	sshrl.u32 s6, $0x1  }
0x7: {  	v9 =	vimm.s32 $0x0;
	_ =	strace $0x80000047;
	s8 =	sshll.u32 s7, $0xA;
	s6 =	ssub.s32 s6, s9  }
0x8: {  	v4 =	vmul.u32 $0x2, v4;
	v1 =	vor.u32 $0x1, v0;
	v2 =	vor.u32 $0x2, v0;
	s7 =	sshll.u32 s7, $0x8;
	s9 =	simm.s32 $0x4000;
	s4 =	sadd.s32 s8, s4  }
0x9: {  	v3 =	vor.u32 $0x3, v0;
	v5 =	vor.u32 $0x4, v0;
	v6 =	vor.u32 $0x5, v0;
	s3 =	sadd.s32 s3, s8;
	s5 =	sadd.s32 s5, s7;
	s6 =	smax.u32 s6, $0x1  }
0xa: {  	v7 =	vor.u32 $0x6, v0;
	v8 =	vor.u32 $0x7, v0;
	v10 =	vor.u32 $0x1, v4;
	s7 =	simm.s32 $0x1;
	s8 =	simm.s32 $0x2000;
	s4 =	sadd.s32 $0xC00, s4  }
.LBB2_1:
0xb: {  	v11 =	vor.u32 s2, v1  }
0xc: {  	[tilespmem:s2], [sflag:$0x1] =	stream.linear.gather [hbm4b:s3+s2], $0x2000, $0x38;
	v12 =	vor.u32 s2, v0;
	[tilespmem:$0x4800] =	vst v63  }
0xd: {  	_ =	swait.ge [sflag:s7], $0x2000  }
0xe: {  	[sflag:s7] =	ssyncset.done $0x0  }
0xf: {  	v13 =	vor.u32 s2, v2;
	[sflag:s7] =	ssyncadd.s32 $0xFFFFE000  }
0x10: {  	v14 =	vld.idx.msk [tilespmem:v11+s2+$0x0], $0xffff  }
0x11: {  	v15 =	vld.idx.msk [tilespmem:v12+s2+$0x0], $0xffff  }
0x12: {  	v16 =	vor.u32 s2, v3;
	_ =	sdelay $0x1  }
0x13: {  	v17 =	vld.idx.msk [tilespmem:v13+s2+$0x0], $0xffff  }
0x14: {  	v18 =	vor.u32 s2, v5;
	vm0 =	vlt.f32 v14, $-Inf;
	vm2 =	vgt.f32 v14, $-Inf  }
0x15: {  	vm1 =	vgt.f32 v14, v15;
	vm2 =	vmor vm2, vm0  }
0x16: {  	v19 =	vld.idx.msk [tilespmem:v16+s2+$0x0], $0xffff;
	vm3 =	vmneg vm1;
	v20 =	vnsel vm2, $0xFF800000, v14  }
0x17: {  	v21 =	vor.u32 s2, v6;
	v20 =	vsel vm3, v20, v15  }
0x18: {  	v14 =	vsel vm3, v15, v14;
	vm5 =	vgt.f32 v17, v20  }
0x19: {  	v15 =	vld.idx.msk [tilespmem:v18+s2+$0x0], $0xffff;
	vm4 =	vgt.f32 v17, v14;
	v20 =	vsel vm5, v17, v20  }
0x1a: {  	v22 =	vor.u32 s2, v7;
	v20 =	vsel vm4, v14, v20  }
0x1b: {  	v14 =	vsel vm4, v17, v14;
	vm7 =	vgt.f32 v19, v20  }
0x1c: {  	v17 =	vld.idx.msk [tilespmem:v21+s2+$0x0], $0xffff;
	vm6 =	vgt.f32 v19, v14;
	v20 =	vsel vm7, v19, v20  }
0x1d: {  	v23 =	vor.u32 s2, v8;
	v20 =	vsel vm6, v14, v20  }
0x1e: {  	v14 =	vsel vm6, v19, v14;
	vm8 =	vgt.f32 v15, v20  }
0x1f: {  	v19 =	vld.idx.msk [tilespmem:v22+s2+$0x0], $0xffff;
	vm9 =	vgt.f32 v15, v14;
	v20 =	vsel vm8, v15, v20  }
0x20: {  	v20 =	vsel vm9, v14, v20  }
0x21: {  	v14 =	vsel vm9, v15, v14;
	vm11 =	vgt.f32 v17, v20  }
0x22: {  	v15 =	vld.idx.msk [tilespmem:v23+s2+$0x0], $0xffff;
	vm12 =	vgt.f32 v17, v14;
	v20 =	vsel vm11, v17, v20  }
0x23: {  	v20 =	vsel vm12, v14, v20  }
0x24: {  	v14 =	vsel vm12, v17, v14;
	vm13 =	vgt.f32 v19, v20  }
0x25: {  	vm10 =	vgt.f32 v19, v14;
	v17 =	vsel vm13, v19, v20  }
0x26: {  	v17 =	vsel vm10, v14, v17;
	v14 =	vsel vm10, v19, v14  }
0x27: {  	vm0 =	vgt.f32 v15, v14;
	vm14 =	vgt.f32 v15, v17  }
0x28: {  	vm0 =	vmneg vm0;
	v17 =	vsel vm14, v15, v17  }
0x29: {  	v17 =	vsel vm0, v17, v14;
	v14 =	vsel vm0, v14, v15  }
0x2a: {  	v14 =	vsub.f32 v17, v14;
	_ =	sdelay $0x1  }
0x2b: {  	v14 =	vmul.f32 $1.442695020e+00, v14;
	_ =	sdelay $0x1  }
0x2c: {  	(erf) = vpow2.f32 v14;
	_ =	sdelay $0x6  }
0x2d: {  	vm2 =	vmand vm3, vm2  }
0x2e: {  	v14 =	vsel vm2, $0x1, v9  }
0x2f: {  	v15 =	vsel vm1, $0x1, v9;
	v14 =	vsel vm5, $0x2, v14;
	v17 =	vpop (erf)  }
0x30: {  	v14 =	vsel vm4, v15, v14;
	v19 =	vadd.f32 $1.000000000e+00, v17  }
0x31: {  	v15 =	vsel vm4, $0x2, v15;
	v14 =	vsel vm7, $0x3, v14  }
0x32: {  	v14 =	vsel vm6, v15, v14;
	(erf) = vrcp.f32 v19  }
0x33: {  	v15 =	vsel vm6, $0x3, v15;
	v14 =	vsel vm8, $0x4, v14  }
0x34: {  	v14 =	vsel vm9, v15, v14  }
0x35: {  	v15 =	vsel vm9, $0x4, v15;
	v14 =	vsel vm11, $0x5, v14  }
0x36: {  	v14 =	vsel vm12, v15, v14  }
0x37: {  	v15 =	vsel vm12, $0x5, v15;
	v14 =	vsel vm13, $0x6, v14  }
0x38: {  	v14 =	vsel vm10, v15, v14;
	v15 =	vsel vm10, $0x6, v15  }
0x39: {  	v14 =	vsel vm14, $0x7, v14  }
0x3a: {  	v19 =	vsel vm0, v14, v15;
	v14 =	vnsel vm0, $0x7, v15  }
0x3b: {  	v63 =	vor.u32 s2, v4;
	vm1 =	vmand vm10, vm0;
	vm2 =	veq.s32 v14, $0x5;
	v15 =	vpop (erf)  }
0x3c: {  	vm4 =	veq.s32 v14, $0x3;
	vm5 =	veq.s32 v14, $0x4;
	v17 =	vmul.f32 v15, v17  }
0x3d: {  	vm6 =	veq.s32 v14, $0x2;
	vm7 =	veq.s32 v14, $0x0;
	vm12 =	veq.s32 v19, $0x0  }
0x3e: {  	vm13 =	veq.s32 v14, $0x1;
	vm14 =	veq.s32 v19, $0x1;
	v20 =	vnsel vm12, $0x0, v17  }
0x3f: {  	vm15 =	veq.s32 v19, $0x2;
	v24 =	vnsel vm14, $0x0, v17;
	v20 =	vsel vm7, v15, v20  }
0x40: {  	vm12 =	veq.s32 v19, $0x3;
	v25 =	vnsel vm15, $0x0, v17;
	v24 =	vsel vm13, v15, v24;
	[tilespmem:v12+s8+$0x0] =	vst.idx.msk $0xffff, v20  }
0x41: {  	vm13 =	veq.s32 v19, $0x4;
	v12 =	vsel vm6, v15, v25;
	v20 =	vnsel vm12, $0x0, v17;
	[tilespmem:v11+s8+$0x0] =	vst.idx.msk $0xffff, v24  }
0x42: {  	vm14 =	veq.s32 v19, $0x5;
	v11 =	vnsel vm13, $0x0, v17;
	v20 =	vsel vm4, v15, v20;
	[tilespmem:v13+s8+$0x0] =	vst.idx.msk $0xffff, v12  }
0x43: {  	vm3 =	veq.s32 v19, $0x6;
	v12 =	vnsel vm14, $0x0, v17;
	v11 =	vsel vm5, v15, v11;
	[tilespmem:v16+s8+$0x0] =	vst.idx.msk $0xffff, v20  }
0x44: {  	vm15 =	veq.s32 v19, $0x7;
	v13 =	vnsel vm3, $0x0, v17;
	v12 =	vsel vm2, v15, v12;
	[tilespmem:v18+s8+$0x0] =	vst.idx.msk $0xffff, v11  }
0x45: {  	v11 =	vsel vm1, v15, v13;
	v13 =	vnsel vm15, $0x0, v17;
	[tilespmem:v21+s8+$0x0] =	vst.idx.msk $0xffff, v12  }
0x46: {  	s12 =	simm.s32 $0x80;
	v12 =	vsel vm0, v13, v15;
	v15 =	vor.u32 s2, v10;
	[tilespmem:v22+s8+$0x0] =	vst.idx.msk $0xffff, v11  }
0x47: {  	[tilespmem:v23+s8+$0x0] =	vst.idx.msk $0xffff, v12;
	v12 =	vor.u32 s12, v1  }
0x48: {  	v13 =	vor.u32 s12, v0  }
0x49: {  	s13 =	simm.s32 $0x100;
	s11 =	simm.s32 $0x0;
	v11 =	vor.u32 s12, v2;
	[tilespmem:v63+s9+$0x0] =	vst.idx.msk $0xffff, v14  }
.LBB2_2:
0x4a: {  	p0 =	sne.s32 s13, $0x1F80  }
0x4b: {  	v14 =	vor.u32 s13, v2;
	[tilespmem:v15+s9+$0x0] =	vst.idx.msk $0xffff, v19;
	s11 =	sadd.s32 $0x20, s11;
	s14 =	smov.u32 s13;
	s13 =	sadd.s32 $0x80, s13  }
0x4c: {  	v19 =	vld.idx.msk [tilespmem:v12+s2+$0x0], $0xffff  }
0x4d: {  	v20 =	vld.idx.msk [tilespmem:v13+s2+$0x0], $0xffff  }
0x4e: {  	v15 =	vor.u32 s12, v3;
	_ =	sdelay $0x1  }
0x4f: {  	v21 =	vld.idx.msk [tilespmem:v11+s2+$0x0], $0xffff  }
0x50: {  	v17 =	vor.u32 s12, v5  }
0x51: {  	vm0 =	vlt.f32 v19, $-Inf;
	vm1 =	vgt.f32 v19, $-Inf  }
0x52: {  	v16 =	vor.u32 s12, v7;
	vm2 =	vgt.f32 v19, v20;
	vm0 =	vmor vm1, vm0;
	v22 =	vld.idx.msk [tilespmem:v15+s2+$0x0], $0xffff  }
0x53: {  	v18 =	vor.u32 s12, v6;
	vm1 =	vmneg vm2;
	v23 =	vnsel vm0, $0xFF800000, v19  }
0x54: {  	vm0 =	vmand vm1, vm0;
	v23 =	vsel vm1, v23, v20;
	v19 =	vsel vm1, v20, v19  }
0x55: {  	v25 =	vsel vm2, $0x1, v9;
	v20 =	vsel vm0, $0x1, v9;
	vm0 =	vgt.f32 v21, v23;
	v24 =	vld.idx.msk [tilespmem:v17+s2+$0x0], $0xffff  }
0x56: {  	vm1 =	vgt.f32 v21, v19;
	v26 =	vsel vm0, $0x2, v20;
	v20 =	vsel vm0, v21, v23  }
0x57: {  	v27 =	vsel vm1, $0x2, v25;
	v23 =	vsel vm1, v19, v20;
	v19 =	vsel vm1, v21, v19  }
0x58: {  	v20 =	vor.u32 s12, v8;
	v25 =	vsel vm1, v25, v26;
	s12 =	smov.u32 s14;
	vm0 =	vgt.f32 v22, v23;
	v21 =	vld.idx.msk [tilespmem:v18+s2+$0x0], $0xffff  }
0x59: {  	vm1 =	vgt.f32 v22, v19;
	v25 =	vsel vm0, $0x3, v25;
	v23 =	vsel vm0, v22, v23  }
0x5a: {  	v25 =	vsel vm1, v27, v25;
	v23 =	vsel vm1, v19, v23;
	v19 =	vsel vm1, v22, v19  }
0x5b: {  	v26 =	vsel vm1, $0x3, v27;
	vm0 =	vgt.f32 v24, v23;
	v22 =	vld.idx.msk [tilespmem:v16+s2+$0x0], $0xffff  }
0x5c: {  	vm1 =	vgt.f32 v24, v19;
	v25 =	vsel vm0, $0x4, v25;
	v23 =	vsel vm0, v24, v23  }
0x5d: {  	v25 =	vsel vm1, v26, v25;
	v23 =	vsel vm1, v19, v23;
	v19 =	vsel vm1, v24, v19  }
0x5e: {  	vm0 =	vgt.f32 v21, v23;
	v24 =	vld.idx.msk [tilespmem:v20+s2+$0x0], $0xffff  }
0x5f: {  	v26 =	vsel vm1, $0x4, v26;
	vm1 =	vgt.f32 v21, v19;
	v23 =	vsel vm0, v21, v23  }
0x60: {  	v25 =	vsel vm0, $0x5, v25;
	v27 =	vsel vm1, $0x5, v26;
	v23 =	vsel vm1, v19, v23  }
0x61: {  	v25 =	vsel vm1, v26, v25;
	v19 =	vsel vm1, v21, v19;
	vm0 =	vgt.f32 v22, v23  }
0x62: {  	vm1 =	vgt.f32 v22, v19;
	v21 =	vsel vm0, $0x6, v25;
	v23 =	vsel vm0, v22, v23  }
0x63: {  	v25 =	vsel vm1, $0x6, v27;
	v22 =	vsel vm1, v22, v19;
	v23 =	vsel vm1, v19, v23  }
0x64: {  	v19 =	vsel vm1, v27, v21;
	vm0 =	vgt.f32 v24, v22;
	vm2 =	vgt.f32 v24, v23  }
0x65: {  	vm0 =	vmneg vm0;
	v19 =	vsel vm2, $0x7, v19;
	v21 =	vsel vm2, v24, v23  }
0x66: {  	v19 =	vsel vm0, v19, v25;
	v21 =	vsel vm0, v21, v22;
	v22 =	vsel vm0, v22, v24  }
0x67: {  	v23 =	vnsel vm0, $0x7, v25;
	vm1 =	vmand vm1, vm0;
	v21 =	vsub.f32 v21, v22;
	_ =	sdelay $0x1  }
0x68: {  	v21 =	vmul.f32 $1.442695020e+00, v21;
	_ =	sdelay $0x1  }
0x69: {  	(erf) = vpow2.f32 v21;
	_ =	sdelay $0x8  }
0x6a: {  	v21 =	vpop (erf)  }
0x6b: {  	v22 =	vadd.f32 $1.000000000e+00, v21;
	_ =	sdelay $0x1  }
0x6c: {  	(erf) = vrcp.f32 v22;
	_ =	sdelay $0x6  }
0x6d: {  	vm2 =	veq.s32 v23, $0x5;
	vm4 =	veq.s32 v19, $0x6;
	vm3 =	veq.s32 v19, $0x7  }
0x6e: {  	vm5 =	veq.s32 v23, $0x3;
	vm6 =	veq.s32 v23, $0x4;
	vm7 =	veq.s32 v19, $0x5  }
0x6f: {  	vm8 =	veq.s32 v23, $0x2;
	vm9 =	veq.s32 v19, $0x3;
	vm10 =	veq.s32 v19, $0x4;
	v22 =	vpop (erf)  }
0x70: {  	vm11 =	veq.s32 v23, $0x0;
	vm12 =	veq.s32 v23, $0x1;
	v21 =	vmul.f32 v22, v21  }
0x71: {  	vm13 =	veq.s32 v19, $0x0;
	vm14 =	veq.s32 v19, $0x1;
	vm15 =	veq.s32 v19, $0x2  }
0x72: {  	v24 =	vnsel vm13, $0x0, v21;
	v25 =	vnsel vm14, $0x0, v21;
	v26 =	vnsel vm15, $0x0, v21  }
0x73: {  	v24 =	vsel vm11, v22, v24;
	v25 =	vsel vm12, v22, v25;
	v26 =	vsel vm8, v22, v26  }
0x74: {  	v27 =	vnsel vm7, $0x0, v21;
	[tilespmem:v13+s8+$0x0] =	vst.idx.msk $0xffff, v24;
	v13 =	vnsel vm9, $0x0, v21;
	v24 =	vnsel vm10, $0x0, v21  }
0x75: {  	[tilespmem:v12+s8+$0x0] =	vst.idx.msk $0xffff, v25;
	v12 =	vsel vm5, v22, v13;
	v13 =	vsel vm6, v22, v24;
	v24 =	vnsel vm4, $0x0, v21  }
0x76: {  	v25 =	vsel vm2, v22, v27;
	[tilespmem:v11+s8+$0x0] =	vst.idx.msk $0xffff, v26;
	v24 =	vsel vm1, v22, v24;
	v26 =	vnsel vm3, $0x0, v21  }
0x77: {  	v21 =	vor.u32 s11, v4;
	v11 =	vmov v14;
	[tilespmem:v15+s8+$0x0] =	vst.idx.msk $0xffff, v12;
	v22 =	vsel vm0, v26, v22  }
.Ltmp0:
0x78: {  	v15 =	vor.u32 s11, v10;
	[tilespmem:v17+s8+$0x0] =	vst.idx.msk $0xffff, v13;
	(pc) =	sbr.rel @p0 .LBB2_2-.Ltmp0, $4  }
0x79: {  	v12 =	vor.u32 s12, v1;
	[tilespmem:v18+s8+$0x0] =	vst.idx.msk $0xffff, v25  }
0x7a: {  	v13 =	vor.u32 s12, v0;
	[tilespmem:v16+s8+$0x0] =	vst.idx.msk $0xffff, v24  }
0x7b: {  	[tilespmem:v20+s8+$0x0] =	vst.idx.msk $0xffff, v22  }
0x7c: {  	[tilespmem:v21+s9+$0x0] =	vst.idx.msk $0xffff, v23  }
0x7d: {  	_ =	sdelay $0x3  }
0x7e: {  	[tilespmem:v15+s9+$0x0] =	vst.idx.msk $0xffff, v19  }
0x7f: {  	v14 =	vld.idx.msk [tilespmem:v12+s2+$0x0], $0xffff  }
0x80: {  	v15 =	vld.idx.msk [tilespmem:v13+s2+$0x0], $0xffff  }
0x81: {  	v16 =	vor.u32 s12, v3;
	_ =	sdelay $0x1  }
0x82: {  	v17 =	vld.idx.msk [tilespmem:v11+s2+$0x0], $0xffff  }
0x83: {  	v18 =	vor.u32 s12, v5;
	vm0 =	vlt.f32 v14, $-Inf;
	vm2 =	vgt.f32 v14, $-Inf  }
0x84: {  	vm1 =	vgt.f32 v14, v15;
	vm2 =	vmor vm2, vm0  }
0x85: {  	v19 =	vld.idx.msk [tilespmem:v16+s2+$0x0], $0xffff;
	vm3 =	vmneg vm1;
	v20 =	vnsel vm2, $0xFF800000, v14  }
0x86: {  	v21 =	vor.u32 s12, v6;
	v20 =	vsel vm3, v20, v15  }
0x87: {  	v14 =	vsel vm3, v15, v14;
	vm5 =	vgt.f32 v17, v20  }
0x88: {  	v48 =	vld.idx.msk [tilespmem:v18+s2+$0x0], $0xffff;
	vm4 =	vgt.f32 v17, v14;
	v20 =	vsel vm5, v17, v20  }
0x89: {  	v22 =	vor.u32 s12, v7;
	v20 =	vsel vm4, v14, v20  }
0x8a: {  	v14 =	vsel vm4, v17, v14;
	vm7 =	vgt.f32 v19, v20  }
0x8b: {  	v49 =	vld.idx.msk [tilespmem:v21+s2+$0x0], $0xffff;
	vm6 =	vgt.f32 v19, v14;
	v20 =	vsel vm7, v19, v20  }
0x8c: {  	v23 =	vor.u32 s12, v8;
	v20 =	vsel vm6, v14, v20  }
0x8d: {  	v14 =	vsel vm6, v19, v14;
	vm8 =	vgt.f32 v48, v20  }
0x8e: {  	v50 =	vld.idx.msk [tilespmem:v22+s2+$0x0], $0xffff;
	vm9 =	vgt.f32 v48, v14;
	v20 =	vsel vm8, v48, v20  }
0x8f: {  	v20 =	vsel vm9, v14, v20  }
0x90: {  	v14 =	vsel vm9, v48, v14;
	vm11 =	vgt.f32 v49, v20  }
0x91: {  	v51 =	vld.idx.msk [tilespmem:v23+s2+$0x0], $0xffff;
	vm12 =	vgt.f32 v49, v14;
	v20 =	vsel vm11, v49, v20  }
0x92: {  	v20 =	vsel vm12, v14, v20  }
0x93: {  	v14 =	vsel vm12, v49, v14;
	vm13 =	vgt.f32 v50, v20  }
0x94: {  	vm10 =	vgt.f32 v50, v14;
	v52 =	vsel vm13, v50, v20  }
0x95: {  	v17 =	vsel vm10, v14, v52;
	v14 =	vsel vm10, v50, v14  }
0x96: {  	vm0 =	vgt.f32 v51, v14;
	vm14 =	vgt.f32 v51, v17  }
0x97: {  	vm0 =	vmneg vm0;
	v17 =	vsel vm14, v51, v17  }
0x98: {  	v17 =	vsel vm0, v17, v14;
	v14 =	vsel vm0, v14, v51  }
0x99: {  	v14 =	vsub.f32 v17, v14;
	_ =	sdelay $0x1  }
0x9a: {  	v14 =	vmul.f32 $1.442695020e+00, v14;
	_ =	sdelay $0x1  }
0x9b: {  	(erf) = vpow2.f32 v14;
	_ =	sdelay $0x6  }
0x9c: {  	vm2 =	vmand vm3, vm2  }
0x9d: {  	v53 =	vsel vm2, $0x1, v9  }
0x9e: {  	v54 =	vsel vm1, $0x1, v9;
	v14 =	vsel vm5, $0x2, v53;
	v55 =	vpop (erf)  }
0x9f: {  	v14 =	vsel vm4, v54, v14;
	v56 =	vadd.f32 $1.000000000e+00, v55  }
0xa0: {  	v15 =	vsel vm4, $0x2, v54;
	v14 =	vsel vm7, $0x3, v14  }
0xa1: {  	v14 =	vsel vm6, v15, v14;
	(erf) = vrcp.f32 v56  }
0xa2: {  	v15 =	vsel vm6, $0x3, v15;
	v14 =	vsel vm8, $0x4, v14  }
0xa3: {  	v14 =	vsel vm9, v15, v14  }
0xa4: {  	v15 =	vsel vm9, $0x4, v15;
	v14 =	vsel vm11, $0x5, v14  }
0xa5: {  	v14 =	vsel vm12, v15, v14  }
0xa6: {  	v15 =	vsel vm12, $0x5, v15;
	v14 =	vsel vm13, $0x6, v14  }
0xa7: {  	v14 =	vsel vm10, v15, v14  }
0xa8: {  	s11 =	sadd.s32 $0x20, s11;
	v15 =	vsel vm10, $0x6, v15;
	v14 =	vsel vm14, $0x7, v14  }
0xa9: {  	v61 =	vor.u32 s11, v4;
	v14 =	vsel vm0, v14, v15;
	v15 =	vnsel vm0, $0x7, v15  }
0xaa: {  	v63 =	vor.u32 s11, v10;
	vm1 =	vmand vm10, vm0;
	vm3 =	veq.s32 v15, $0x5;
	v19 =	vpop (erf)  }
0xab: {  	vm5 =	veq.s32 v15, $0x3;
	vm6 =	veq.s32 v15, $0x4;
	v17 =	vmul.f32 v19, v55  }
0xac: {  	vm7 =	veq.s32 v15, $0x2;
	vm8 =	veq.s32 v15, $0x0;
	vm13 =	veq.s32 v14, $0x0  }
0xad: {  	vm14 =	veq.s32 v15, $0x1;
	vm15 =	veq.s32 v14, $0x1;
	v57 =	vnsel vm13, $0x0, v17  }
0xae: {  	vm12 =	veq.s32 v14, $0x2;
	v24 =	vnsel vm15, $0x0, v17;
	v20 =	vsel vm8, v19, v57  }
0xaf: {  	vm13 =	veq.s32 v14, $0x3;
	v25 =	vnsel vm12, $0x0, v17;
	v24 =	vsel vm14, v19, v24;
	[tilespmem:v13+s8+$0x0] =	vst.idx.msk $0xffff, v20  }
0xb0: {  	vm14 =	veq.s32 v14, $0x4;
	v58 =	vsel vm7, v19, v25;
	v59 =	vnsel vm13, $0x0, v17;
	[tilespmem:v12+s8+$0x0] =	vst.idx.msk $0xffff, v24  }
0xb1: {  	vm15 =	veq.s32 v14, $0x5;
	v60 =	vnsel vm14, $0x0, v17;
	v20 =	vsel vm5, v19, v59;
	[tilespmem:v11+s8+$0x0] =	vst.idx.msk $0xffff, v58  }
0xb2: {  	vm4 =	veq.s32 v14, $0x6;
	v12 =	vsel vm6, v19, v60;
	v11 =	vnsel vm15, $0x0, v17;
	[tilespmem:v16+s8+$0x0] =	vst.idx.msk $0xffff, v20  }
0xb3: {  	vm2 =	veq.s32 v14, $0x7;
	v62 =	vnsel vm4, $0x0, v17;
	v11 =	vsel vm3, v19, v11;
	[tilespmem:v18+s8+$0x0] =	vst.idx.msk $0xffff, v12  }
0xb4: {  	v17 =	vnsel vm2, $0x0, v17;
	v16 =	vsel vm1, v19, v62;
	[tilespmem:v21+s8+$0x0] =	vst.idx.msk $0xffff, v11  }
0xb5: {  	v11 =	vsel vm0, v17, v19;
	[tilespmem:v22+s8+$0x0] =	vst.idx.msk $0xffff, v16  }
0xb6: {  	[tilespmem:v23+s8+$0x0] =	vst.idx.msk $0xffff, v11  }
0xb7: {  	[tilespmem:v61+s9+$0x0] =	vst.idx.msk $0xffff, v15  }
0xb8: {  	[tilespmem:v63+s9+$0x0] =	vst.idx.msk $0xffff, v14  }
0xb9: {  	[hbm4b:s4+s2] =	stream.linear.scatter [tilespmem:s8], [sflag:$0x1], $0x2000, $0x38;
	[tilespmem:$0x4800] =	vst v63  }
0xba: {  	s10 =	sadd.s32 $0x1, s10;
	_ =	swait.ge [sflag:s7], $0x2000  }
0xbb: {  	p0 =	sne.s32 s10, s6;
	[sflag:s7] =	ssyncset.done $0x0  }
.Ltmp1:
0xbc: {  	[sflag:s7] =	ssyncadd.s32 $0xFFFFE000;
	(pc) =	sbr.rel @p0 .LBB2_1-.Ltmp1, $4  }
0xbd: {  	[hbm4b:s5+s2] =	stream.linear.scatter [tilespmem:s9], [sflag:$0x1], $0x800, $0x38;
	[tilespmem:$0x4800] =	vst v63  }
0xbe: {  	_ =	swait.ge [sflag:s7], $0x800  }
0xbf: {  	[sflag:s7] =	ssyncset.done $0x0  }
0xc0: {  	[sflag:s7] =	ssyncadd.s32 $0xFFFFF800  }
0xc1: {  	_ =	sfence.sel $0x180000  }
0xc2: {  	[bflag:$0x0] =	sbarrier.arrive $0xFFFF  }
0xc3: {  	p0 =	sne.s32 s1, $0x0;
	_ =	strace $0x90000047  }
0xc4: {  	s0 =	sadd.s32 @!p0 $0x100000, s0;
	[bflag:$0x2] =	sbarrier.arrive $0xFFFF  }
0xc5: {  	[sflag:s0] =	ssyncadd.tile.s32 @!p0 $0x1;
	_ =	shalt  }
.Lfunc_end2:
_tile_overlayer_lowered:
.L_overlay_start_2:
0xc6: {  	(tag) =	ssettag $0x2  }
0xc7: {  	s0 =	rddreg [dreg:$0x0];
	s2 =	stileid.u32  }
0xc8: {  	s1 =	rddreg [dreg:$0x1];
	p0 =	sne.s32 s2, $0x0  }
0xc9: {  	s3 =	rddreg [dreg:$0x2];
	[bflag:$0x3] =	sbarrier.arrive $0xFFFF;
	s2 =	simm.s32 @!p0 $0x1C01  }
0xca: {  	[timem:s3], [sflag:s2] =	dma.local @!p0 [hbm:s0], s1  }
0xcb: {  	s0 =	simm.s32 @!p0 $0x1  }
0xcc: {  	_ =	swait.ge @!p0 [sflag:s0], s1  }
0xcd: {  	s1 =	ssub.s32 @!p0 $0x0, s1;
	[sflag:s0] =	ssyncset.done @!p0 $0x0  }
0xce: {  	[sflag:s0] =	ssyncadd.s32 @!p0 s1  }
0xcf: {  	[bflag:$0x3] =	sbarrier.arrive $0xFFFF  }
0xd0: {  	_ =	shalt  }

</sc_bundles>
